<compile_context>
chip_gen: v7x
topology: tpu7x:2x2x1
jax: 0.10.2.dev20260603
libtpu: 0.0.44.dev20260713+nightly
codegen_flags: <defaults>
</compile_context>

<pallas_src>
import jax
import jax.numpy as jnp
from jax import lax
from jax.experimental import pallas as pl
from jax.experimental.pallas import tpu as pltpu
from jax.experimental.pallas import tpu_sc as plsc

F32 = jnp.float32
BF16 = jnp.bfloat16
I32 = jnp.int32
_B = 8
_T = 4096
_D = 128
_TSW = 512
_ACO = 192
_NF = 128
_DM = 512
_FOLD = _T // _D
_NC = 2
_NS = 16
_NW = _NC * _NS
_NROWS = _B * _NF
_RPW = _NROWS // _NW


def _softplus(x):
    return jnp.maximum(x, 0.0) + jnp.log(1.0 + jnp.exp(-jnp.abs(x)))


def _sigmoid(x):
    t = jnp.exp(-jnp.abs(x))
    return jnp.where(x >= 0, 1.0 / (1.0 + t), t / (1.0 + t))


def _alpha_body(wk_ref, dwh_ref, db_ref, pw_ref, pb_ref,
                il_ref, tl_ref, x_ref,
                alpha_ref, q_ref, gff_ref, ffs_ref, valid_ref):
    b = pl.program_id(0)
    x = x_ref[0]
    z1 = jnp.zeros((1, _D), F32)
    xm1 = jnp.concatenate([z1, x[:-1]], axis=0)
    xp1 = jnp.concatenate([x[1:], z1], axis=0)
    h0 = xm1 * wk_ref[0:1] + x * wk_ref[1:2] + xp1 * wk_ref[2:3] + x
    mu = jnp.mean(h0, axis=1, keepdims=True)
    diff = h0 - mu
    var = jnp.mean(diff * diff, axis=1, keepdims=True)
    inv = jnp.reshape(1.0 / jnp.sqrt(jnp.reshape(var, (_FOLD, _D)) + 1e-5),
                      (_T, 1))
    xn = diff * inv
    dims = (((1,), (0,)), ((), ()))
    y = lax.dot_general(xn.astype(BF16), dwh_ref[...], dims,
                        preferred_element_type=F32)
    h = jnp.maximum(y + db_ref[0:1], 0.0)
    z = lax.dot_general(h.astype(BF16), pw_ref[...], dims,
                        preferred_element_type=F32) + pb_ref[0, 0]
    zf = jnp.reshape(z, (_FOLD, _D))
    alpha_raw = _softplus(zf)
    onset = _sigmoid((alpha_raw - 1.0) * 10.0)
    ilen = il_ref[b]
    tf = (lax.broadcasted_iota(I32, (_FOLD, _D), 0) * _D
          + lax.broadcasted_iota(I32, (_FOLD, _D), 1))
    pad = tf >= ilen
    alpha = jnp.where(pad, 0.0, alpha_raw)
    onset = jnp.where(pad, 0.0, onset)
    alpha_ref[0] = alpha
    contrib = jnp.full((1, 1), jnp.abs(jnp.sum(onset) - tl_ref[b].astype(F32))
                       * (1.0 / _B), F32)

    @pl.when(b == 0)
    def _():
        q_ref[...] = contrib

    @pl.when(b > 0)
    def _():
        q_ref[...] += contrib

    m = (alpha > 1.0).astype(F32)
    r_iota = lax.broadcasted_iota(I32, (_D, _D), 0)
    c_iota = lax.broadcasted_iota(I32, (_D, _D), 1)
    U = (r_iota <= c_iota).astype(F32)
    row_cum = lax.dot_general(m, U, dims)
    r_tot = row_cum[:, _D - 1:_D]
    ls_r = lax.broadcasted_iota(I32, (_FOLD, _FOLD), 0)
    ls_c = lax.broadcasted_iota(I32, (_FOLD, _FOLD), 1)
    Ls = (ls_c < ls_r).astype(F32)
    off = lax.dot_general(Ls, r_tot, dims)
    cums = row_cum + off
    n_fires = jnp.sum(m)
    slots = (lax.broadcasted_iota(I32, (1, 1, _NF), 2) + 1).astype(F32)
    cmp = (cums[:, :, None] < slots).astype(F32)
    ff_f = jnp.sum(cmp, axis=(0, 1))
    ff = jnp.clip(ff_f.astype(I32), 0, _T - 1).reshape(1, _NF)
    gff_ref[0] = ff + b * _T
    ffs_ref[0] = jnp.clip(ff // 8, 0, _TSW - 1)
    valid_ref[0] = (lax.broadcasted_iota(I32, (_NF, 1), 0)
                    < n_fires.astype(I32)).astype(F32)


def _sc_gather_body(gff_hbm, fire_hbm, out_t, idx_v, rows_v, sem):
    wid = lax.axis_index("s") * _NC + lax.axis_index("c")
    base = wid * _RPW
    pltpu.sync_copy(gff_hbm.at[pl.ds(base, _RPW)], idx_v)
    pltpu.async_copy(fire_hbm.at[idx_v], rows_v, sem).wait()
    pltpu.sync_copy(rows_v, out_t.at[pl.ds(base, _RPW)])


def _comb_body(cw1T_ref, cw2T_ref, cb_ref, t_ref, src_ref, ffs_ref, v_ref,
               emb_ref):
    dims = (((1,), (0,)), ((), ()))
    temporal = t_ref[0] * v_ref[0]
    w_col = lax.broadcasted_iota(I32, (_TSW, 1), 0)
    oh = (w_col == ffs_ref[0]).astype(BF16)
    pitch = lax.dot_general(oh, src_ref[0].astype(BF16),
                            (((0,), (0,)), ((), ())),
                            preferred_element_type=F32)
    emb_ref[0] = (lax.dot_general(temporal, cw1T_ref[...], dims)
                  + lax.dot_general(pitch, cw2T_ref[...], dims)
                  + cb_ref[0:1])


@jax.jit
def _cif_run(fire_signal, acoustic_src, conv_w, ln_gamma, ln_beta, dense_w,
             dense_b, proj_w, proj_b, comb_w, comb_b, input_lengths,
             target_lengths):
    wk = jnp.zeros((8, _D), F32).at[0:3].set(
        jnp.transpose(conv_w[:, 0, :], (1, 0)))
    dwT = ln_gamma[:, None] * jnp.transpose(dense_w, (1, 0))
    dwh = dwT.astype(BF16)
    db = (ln_beta @ jnp.transpose(dense_w, (1, 0)) + dense_b).reshape(1, _D)
    pw = jnp.transpose(proj_w, (1, 0)).astype(BF16)
    pb = proj_b.reshape(1, 1)
    cw1T = jnp.transpose(comb_w[:, :_D], (1, 0))
    cw2T = jnp.transpose(comb_w[:, _D:], (1, 0))
    cb = comb_b.reshape(1, _DM)

    full = lambda shape: pl.BlockSpec(shape, lambda b: (0,) * len(shape))
    alpha_f, q, gff, ffs, valid = pl.pallas_call(
        _alpha_body,
        grid=(_B,),
        in_specs=[
            full((8, _D)), full((_D, _D)),
            full((1, _D)), full((_D, 1)), full((1, 1)),
            pl.BlockSpec(memory_space=pltpu.SMEM),
            pl.BlockSpec(memory_space=pltpu.SMEM),
            pl.BlockSpec((1, _T, _D), lambda b: (b, 0, 0)),
        ],
        out_specs=[
            pl.BlockSpec((1, _FOLD, _D), lambda b: (b, 0, 0)),
            pl.BlockSpec((1, 1), lambda b: (0, 0)),
            pl.BlockSpec((1, 1, _NF), lambda b: (b, 0, 0)),
            pl.BlockSpec((1, 1, _NF), lambda b: (b, 0, 0)),
            pl.BlockSpec((1, _NF, 1), lambda b: (b, 0, 0)),
        ],
        out_shape=[
            jax.ShapeDtypeStruct((_B, _FOLD, _D), F32),
            jax.ShapeDtypeStruct((1, 1), F32),
            jax.ShapeDtypeStruct((_B, 1, _NF), I32),
            jax.ShapeDtypeStruct((_B, 1, _NF), I32),
            jax.ShapeDtypeStruct((_B, _NF, 1), F32),
        ],
    )(wk, dwh, db, pw, pb, input_lengths, target_lengths, fire_signal)

    sc_gather = pl.kernel(
        _sc_gather_body,
        mesh=plsc.VectorSubcoreMesh(core_axis_name="c", subcore_axis_name="s"),
        out_type=jax.ShapeDtypeStruct((_NROWS, _D), F32),
        scratch_types=[
            pltpu.VMEM((_RPW,), I32),
            pltpu.VMEM((_RPW, _D), F32),
            pltpu.SemaphoreType.DMA,
        ],
    )
    temporal = sc_gather(gff.reshape(_NROWS), fire_signal.reshape(_B * _T, _D))

    embs = pl.pallas_call(
        _comb_body,
        grid=(_B,),
        in_specs=[
            full((_D, _DM)), full((_ACO, _DM)), full((1, _DM)),
            pl.BlockSpec((1, _NF, _D), lambda b: (b, 0, 0)),
            pl.BlockSpec((1, _TSW, _ACO), lambda b: (b, 0, 0)),
            pl.BlockSpec((1, 1, _NF), lambda b: (b, 0, 0)),
            pl.BlockSpec((1, _NF, 1), lambda b: (b, 0, 0)),
        ],
        out_specs=[pl.BlockSpec((1, _NF, _DM), lambda b: (b, 0, 0))],
        out_shape=[jax.ShapeDtypeStruct((_B, _NF, _DM), F32)],
    )(cw1T, cw2T, cb, temporal.reshape(_B, _NF, _D), acoustic_src, ffs,
      valid)[0]

    return embs, alpha_f.reshape(_B, _T), q[0, 0]


def kernel(fire_signal, acoustic_src, conv_w, ln_gamma, ln_beta, dense_w,
           dense_b, proj_w, proj_b, comb_w, comb_b, input_lengths,
           target_lengths):
    return _cif_run(fire_signal, acoustic_src, conv_w, ln_gamma, ln_beta,
                    dense_w, dense_b, proj_w, proj_b, comb_w, comb_b,
                    input_lengths, target_lengths)

# --- scband reference (transcript-rebuilt; emitter-appended) ---
"""Pipeline reference for scband-cifmodule-27006754357837 (READ-ONLY COPY).

The authoritative reference and input builder live on the scoring server;
editing this copy changes nothing except your own understanding.
"""

import jax, jax.numpy as jnp
import numpy as np

FIRE_DIM = 128
ACO_DIM = 192
D_MODEL = 512
THRESHOLD = 1.0
TEMP = 0.1
N_FIRES = 128
B = 8
T_BI = 4096
T_SW = 512


def setup_inputs(seed: int = 0) -> dict:
    key = jax.random.key(seed)
    ks = jax.random.split(key, 12)
    fire_signal = jax.random.normal(ks[0], (B, T_BI, FIRE_DIM), dtype=jnp.float32)
    acoustic_src = jax.random.normal(ks[1], (B, T_SW, ACO_DIM), dtype=jnp.float32)
    input_lengths = jax.random.randint(ks[2], (B,), 0, T_BI, dtype=jnp.int32)
    target_lengths = jax.random.randint(ks[3], (B,), 0, 200, dtype=jnp.int32)
    conv_w = jax.random.normal(ks[4], (FIRE_DIM, 1, 3), dtype=jnp.float32) * 0.1
    ln_gamma = jnp.ones((FIRE_DIM,), jnp.float32)
    ln_beta = jnp.zeros((FIRE_DIM,), jnp.float32)
    dense_w = jax.random.normal(ks[5], (FIRE_DIM, FIRE_DIM), jnp.float32) * 0.05
    dense_b = jnp.zeros((FIRE_DIM,), jnp.float32)
    proj_w = jax.random.normal(ks[6], (1, FIRE_DIM), jnp.float32) * 0.05
    proj_b = jnp.zeros((1,), jnp.float32)
    comb_w = jax.random.normal(ks[7], (D_MODEL, FIRE_DIM + ACO_DIM), jnp.float32) * 0.05
    comb_b = jnp.zeros((D_MODEL,), jnp.float32)
    return {"fire_signal": fire_signal, "acoustic_src": acoustic_src, "conv_w": conv_w,
            "ln_gamma": ln_gamma, "ln_beta": ln_beta, "dense_w": dense_w, "dense_b": dense_b,
            "proj_w": proj_w, "proj_b": proj_b, "comb_w": comb_w, "comb_b": comb_b,
            "input_lengths": input_lengths, "target_lengths": target_lengths}


def reference(fire_signal, acoustic_src, conv_w, ln_gamma, ln_beta, dense_w, dense_b,
              proj_w, proj_b, comb_w, comb_b, input_lengths, target_lengths):
    Bsz, T_bi, D_bi = fire_signal.shape
    T_sw = acoustic_src.shape[1]
    # 1. weight predictor: depthwise conv + residual + LN + MLP + softplus
    ctx = jnp.transpose(fire_signal, (0, 2, 1))
    mem = jax.lax.conv_general_dilated(ctx, conv_w, (1,), ((1, 1),),
                                       dimension_numbers=("NCH", "OIH", "NCH"),
                                       feature_group_count=D_bi)
    x = jnp.transpose(mem + ctx, (0, 2, 1))
    mu = jnp.mean(x, -1, keepdims=True)
    var = jnp.mean((x - mu) ** 2, -1, keepdims=True)
    x = (x - mu) / jnp.sqrt(var + 1e-5) * ln_gamma + ln_beta
    x = jax.nn.relu(x @ dense_w.T + dense_b)
    alpha = jax.nn.softplus(x @ proj_w.T + proj_b)[..., 0]
    # 2. soft Schmitt trigger onset probability
    onset = jax.nn.sigmoid((alpha - THRESHOLD) / TEMP)
    pad_mask = jnp.arange(T_bi)[None, :] >= input_lengths[:, None]
    alpha = jnp.where(pad_mask, 0.0, alpha)
    onset = jnp.where(pad_mask, 0.0, onset)
    # 6. quantity loss
    qty_loss = jnp.mean(jnp.abs(onset.sum(1) - target_lengths.astype(alpha.dtype)))
    # 3. CIF peak-detection fire frames (static N = target_fires slots)
    fire_mask = alpha > THRESHOLD
    n_fires = fire_mask.sum(1)
    cums = jnp.cumsum(fire_mask.astype(jnp.int32), axis=1)
    slots = jnp.arange(1, N_FIRES + 1, dtype=jnp.int32)
    slots_b = jnp.broadcast_to(slots, (Bsz, N_FIRES))
    ff = jax.vmap(jnp.searchsorted)(cums, slots_b)
    ff = jnp.clip(ff, 0, T_bi - 1)
    idx_bi = jnp.broadcast_to(ff[:, :, None], (Bsz, N_FIRES, D_bi))
    gathered = jnp.take_along_axis(fire_signal, idx_bi, axis=1)
    valid = slots_b <= n_fires[:, None]
    acoustic_temporal = jax.lax.stop_gradient(jnp.where(valid[:, :, None], gathered, 0.0))
    # pitch channel: integer lookup into low-fps acoustic_src
    ff_s0 = jnp.clip((ff.astype(jnp.float32) * T_sw / T_bi).astype(jnp.int32), 0, T_sw - 1)
    idx_sw = jnp.broadcast_to(ff_s0[:, :, None], (Bsz, N_FIRES, ACO_DIM))
    acoustic_pitch = jnp.take_along_axis(acoustic_src, idx_sw, axis=1)
    # 4-5. concat + project
    cat = jnp.concatenate([acoustic_temporal, acoustic_pitch], axis=-1)
    acoustic_embs = cat @ comb_w.T + comb_b
    return acoustic_embs, alpha, qty_loss

if __name__ == "__main__":
    import jax
    _d = setup_inputs()
    print(jax.jit(kernel)(*tuple(_d.values())))

</pallas_src>

<mosaic_0001>
#map = affine_map<(d0, d1) -> (0)>
#map1 = affine_map<(d0, d1) -> (0, 0)>
module attributes {stable_mosaic.version = 14 : i64} {
  func.func @_sc_gather_body(%arg0: i32, %arg1: i32, %arg2: memref<1024xi32, #tpu.memory_space<hbm>>, %arg3: memref<32768x128xf32, #tpu.memory_space<hbm>>, %arg4: memref<1024x128xf32, #tpu.memory_space<hbm>>, %arg5: memref<32xi32, #tpu.memory_space<vmem>>, %arg6: memref<32x128xf32, #tpu.memory_space<vmem>>, %arg7: memref<!tpu.dma_semaphore, #tpu.memory_space<semaphore_mem>>) attributes {dimension_semantics = [#tpu.dimension_semantics<core_parallel>, #tpu.dimension_semantics<subcore_parallel>], iteration_bounds = array<i64: 2, 16>, scalar_prefetch = 0 : i64, scratch_operands = 3 : i64, tpu.core_type = #tpu.core_type<sc_vector_subcore>, window_params = [{transform_indices = #map}, {transform_indices = #map1}, {transform_indices = #map1}]} {
    %mul3A = arith.constant 2 : i32
    %mul3A_0 = arith.muli %arg1, %mul3A : i32
    %add3A = arith.addi %mul3A_0, %arg0 : i32
    %mul3A_1 = arith.constant 32 : i32
    %mul3A_2 = arith.muli %add3A, %mul3A_1 : i32
    "tpu.region"() ({
      %run_scoped3A = tpu.sem_alloc : memref<!tpu.dma_semaphore, #tpu.memory_space<semaphore_mem>>
      %dma_start3A_7 = tpu.memref_slice %arg2[%mul3A_2] : memref<1024xi32, #tpu.memory_space<hbm>> -> memref<32xi32, #tpu.memory_space<hbm>>
      %dma_start3A_8 = tpu.memref_slice %arg2[%mul3A_2] : memref<1024xi32, #tpu.memory_space<hbm>> -> memref<32xi32, #tpu.memory_space<hbm>>
      tpu.enqueue_dma source(%dma_start3A_8 : memref<32xi32, #tpu.memory_space<hbm>>) target(%arg5 : memref<32xi32, #tpu.memory_space<vmem>>) target_semaphore(%run_scoped3A : memref<!tpu.dma_semaphore, #tpu.memory_space<semaphore_mem>>)
      %dma_wait3A_9 = tpu.memref_slice %arg2[%mul3A_2] : memref<1024xi32, #tpu.memory_space<hbm>> -> memref<32xi32, #tpu.memory_space<hbm>>
      %dma_wait3A_10 = tpu.memref_slice %arg2[%mul3A_2] : memref<1024xi32, #tpu.memory_space<hbm>> -> memref<32xi32, #tpu.memory_space<hbm>>
      tpu.wait_dma2 semaphore(%run_scoped3A : memref<!tpu.dma_semaphore, #tpu.memory_space<semaphore_mem>>) src(%dma_wait3A_10 : memref<32xi32, #tpu.memory_space<hbm>>) dst(%arg5 : memref<32xi32, #tpu.memory_space<vmem>>)
      tpu.yield
    }) : () -> ()
    %dma_start3A = arith.constant 0 : i32
    %dma_start3A_3 = arith.constant 0 : i32
    %dma_start3A_4 = tpu.memref_slice %arg3[%dma_start3A, %dma_start3A_3] : memref<32768x128xf32, #tpu.memory_space<hbm>> -> memref<32768x128xf32, #tpu.memory_space<hbm>>
    tpu.enqueue_indirect_dma source(%dma_start3A_4 : memref<32768x128xf32, #tpu.memory_space<hbm>>) target(%arg6 : memref<32x128xf32, #tpu.memory_space<vmem>>) offsets(%arg5 : memref<32xi32, #tpu.memory_space<vmem>>) semaphore(%arg7 : memref<!tpu.dma_semaphore, #tpu.memory_space<semaphore_mem>>)
    %dma_wait3A = arith.constant 0 : i32
    %dma_wait3A_5 = arith.constant 0 : i32
    %dma_wait3A_6 = tpu.memref_slice %arg3[%dma_wait3A, %dma_wait3A_5] : memref<32768x128xf32, #tpu.memory_space<hbm>> -> memref<32768x128xf32, #tpu.memory_space<hbm>>
    tpu.wait_indirect_dma semaphore(%arg7 : memref<!tpu.dma_semaphore, #tpu.memory_space<semaphore_mem>>) src(%dma_wait3A_6 : memref<32768x128xf32, #tpu.memory_space<hbm>>) dst(%arg6 : memref<32x128xf32, #tpu.memory_space<vmem>>)
    "tpu.region"() ({
      %run_scoped3A = tpu.sem_alloc : memref<!tpu.dma_semaphore, #tpu.memory_space<semaphore_mem>>
      %dma_start3A_7 = arith.constant 0 : i32
      %dma_start3A_8 = tpu.memref_slice %arg4[%mul3A_2, %dma_start3A_7] : memref<1024x128xf32, #tpu.memory_space<hbm>> -> memref<32x128xf32, #tpu.memory_space<hbm>>
      %dma_start3A_9 = arith.constant 0 : i32
      %dma_start3A_10 = tpu.memref_slice %arg4[%mul3A_2, %dma_start3A_9] : memref<1024x128xf32, #tpu.memory_space<hbm>> -> memref<32x128xf32, #tpu.memory_space<hbm>>
      tpu.enqueue_dma source(%arg6 : memref<32x128xf32, #tpu.memory_space<vmem>>) target(%dma_start3A_10 : memref<32x128xf32, #tpu.memory_space<hbm>>) target_semaphore(%run_scoped3A : memref<!tpu.dma_semaphore, #tpu.memory_space<semaphore_mem>>)
      %dma_wait3A_11 = arith.constant 0 : i32
      %dma_wait3A_12 = tpu.memref_slice %arg4[%mul3A_2, %dma_wait3A_11] : memref<1024x128xf32, #tpu.memory_space<hbm>> -> memref<32x128xf32, #tpu.memory_space<hbm>>
      %dma_wait3A_13 = arith.constant 0 : i32
      %dma_wait3A_14 = tpu.memref_slice %arg4[%mul3A_2, %dma_wait3A_13] : memref<1024x128xf32, #tpu.memory_space<hbm>> -> memref<32x128xf32, #tpu.memory_space<hbm>>
      tpu.wait_dma2 semaphore(%run_scoped3A : memref<!tpu.dma_semaphore, #tpu.memory_space<semaphore_mem>>) src(%arg6 : memref<32x128xf32, #tpu.memory_space<vmem>>) dst(%dma_wait3A_14 : memref<32x128xf32, #tpu.memory_space<hbm>>)
      tpu.yield
    }) : () -> ()
    return
  }
}

module attributes {stable_mosaic.version = 14 : i64} {
  func.func @_alpha_body(%arg0: i32, %arg1: memref<8x128xf32, #tpu.memory_space<vmem>>, %arg2: memref<128x128xbf16, #tpu.memory_space<vmem>>, %arg3: memref<1x128xf32, #tpu.memory_space<vmem>>, %arg4: memref<128x1xbf16, #tpu.memory_space<vmem>>, %arg5: memref<1x1xf32, #tpu.memory_space<vmem>>, %arg6: memref<8xi32, #tpu.memory_space<smem>>, %arg7: memref<8xi32, #tpu.memory_space<smem>>, %arg8: memref<1x4096x128xf32, #tpu.memory_space<vmem>>, %arg9: memref<1x32x128xf32, #tpu.memory_space<vmem>>, %arg10: memref<1x1xf32, #tpu.memory_space<vmem>>, %arg11: memref<1x1x128xi32, #tpu.memory_space<vmem>>, %arg12: memref<1x1x128xi32, #tpu.memory_space<vmem>>, %arg13: memref<1x128x1xf32, #tpu.memory_space<vmem>>) attributes {dimension_semantics = [#tpu.dimension_semantics<arbitrary>], iteration_bounds = array<i64: 8>, scalar_prefetch = 0 : i64, scratch_operands = 0 : i64, tpu.core_type = #tpu.core_type<tc>, window_params = [{pipeline_mode = #tpu.pipeline_mode<synchronous>, transform_indices = @transform_0, window_bounds = array<i64: 8, 128>}, {pipeline_mode = #tpu.pipeline_mode<synchronous>, transform_indices = @transform_1, window_bounds = array<i64: 128, 128>}, {pipeline_mode = #tpu.pipeline_mode<synchronous>, transform_indices = @transform_2, window_bounds = array<i64: 1, 128>}, {pipeline_mode = #tpu.pipeline_mode<synchronous>, transform_indices = @transform_3, window_bounds = array<i64: 128, 1>}, {pipeline_mode = #tpu.pipeline_mode<synchronous>, transform_indices = @transform_4, window_bounds = array<i64: 1, 1>}, {transform_indices = @transform_5, window_bounds = array<i64: 8>}, {transform_indices = @transform_6, window_bounds = array<i64: 8>}, {transform_indices = @transform_7, window_bounds = array<i64: 1, 4096, 128>}, {transform_indices = @transform_8, window_bounds = array<i64: 1, 32, 128>}, {pipeline_mode = #tpu.pipeline_mode<synchronous>, transform_indices = @transform_9, window_bounds = array<i64: 1, 1>}, {transform_indices = @transform_10, window_bounds = array<i64: 1, 1, 128>}, {transform_indices = @transform_11, window_bounds = array<i64: 1, 1, 128>}, {transform_indices = @transform_12, window_bounds = array<i64: 1, 128, 1>}]} {
    %get3A = arith.constant 0 : index
    %get3A_0 = arith.constant 0 : index
    %get3A_1 = arith.constant 0 : index
    %get3A_2 = vector.load %arg8[%get3A, %get3A_0, %get3A_1] : memref<1x4096x128xf32, #tpu.memory_space<vmem>>, vector<1x4096x128xf32>
    %get3A_3 = vector.shape_cast %get3A_2 : vector<1x4096x128xf32> to vector<4096x128xf32>
    %broadcast_in_dim3A = arith.constant 0.000000e+00 : f32
    %broadcast_in_dim3A_4 = vector.broadcast %broadcast_in_dim3A : f32 to vector<1x128xf32>
    %slice3A = vector.extract_strided_slice %get3A_3 {offsets = [0, 0], sizes = [4095, 128], strides = [1, 1]} : vector<4096x128xf32> to vector<4095x128xf32>
    %concatenate3A = tpu.concatenate %broadcast_in_dim3A_4, %slice3A in 0 : vector<1x128xf32>, vector<4095x128xf32> -> vector<4096x128xf32>
    %slice3A_5 = vector.extract_strided_slice %get3A_3 {offsets = [1, 0], sizes = [4095, 128], strides = [1, 1]} : vector<4096x128xf32> to vector<4095x128xf32>
    %concatenate3A_6 = tpu.concatenate %slice3A_5, %broadcast_in_dim3A_4 in 0 : vector<4095x128xf32>, vector<1x128xf32> -> vector<4096x128xf32>
    %get3A_7 = arith.constant 0 : index
    %get3A_8 = arith.constant 0 : index
    %get3A_9 = vector.load %arg1[%get3A_7, %get3A_8] : memref<8x128xf32, #tpu.memory_space<vmem>>, vector<1x128xf32>
    %mul3A = vector.broadcast %get3A_9 : vector<1x128xf32> to vector<4096x128xf32>
    %mul3A_10 = arith.mulf %concatenate3A, %mul3A : vector<4096x128xf32>
    %get3A_11 = arith.constant 1 : index
    %get3A_12 = arith.constant 0 : index
    %get3A_13 = vector.load %arg1[%get3A_11, %get3A_12] : memref<8x128xf32, #tpu.memory_space<vmem>>, vector<1x128xf32>
    %mul3A_14 = vector.broadcast %get3A_13 : vector<1x128xf32> to vector<4096x128xf32>
    %mul3A_15 = arith.mulf %get3A_3, %mul3A_14 : vector<4096x128xf32>
    %add3A = arith.addf %mul3A_10, %mul3A_15 : vector<4096x128xf32>
    %get3A_16 = arith.constant 2 : index
    %get3A_17 = arith.constant 0 : index
    %get3A_18 = vector.load %arg1[%get3A_16, %get3A_17] : memref<8x128xf32, #tpu.memory_space<vmem>>, vector<1x128xf32>
    %mul3A_19 = vector.broadcast %get3A_18 : vector<1x128xf32> to vector<4096x128xf32>
    %mul3A_20 = arith.mulf %concatenate3A_6, %mul3A_19 : vector<4096x128xf32>
    %add3A_21 = arith.addf %add3A, %mul3A_20 : vector<4096x128xf32>
    %add3A_22 = arith.addf %add3A_21, %get3A_3 : vector<4096x128xf32>
    %reduce_sum3A = arith.constant dense<0.000000e+00> : vector<4096xf32>
    %reduce_sum3A_23 = vector.multi_reduction <add>, %add3A_22, %reduce_sum3A [1] : vector<4096x128xf32> to vector<4096xf32>
    %broadcast_in_dim3A_24 = vector.shape_cast %reduce_sum3A_23 : vector<4096xf32> to vector<4096x1xf32>
    %div3A = arith.constant 1.280000e+02 : f32
    %div3A_25 = vector.broadcast %div3A : f32 to vector<4096x1xf32>
    %div3A_26 = arith.divf %broadcast_in_dim3A_24, %div3A_25 : vector<4096x1xf32>
    %sub3A = vector.broadcast %div3A_26 : vector<4096x1xf32> to vector<4096x128xf32>
    %sub3A_27 = arith.subf %add3A_22, %sub3A : vector<4096x128xf32>
    %mul3A_28 = arith.mulf %sub3A_27, %sub3A_27 : vector<4096x128xf32>
    %reduce_sum3A_29 = arith.constant dense<0.000000e+00> : vector<4096xf32>
    %reduce_sum3A_30 = vector.multi_reduction <add>, %mul3A_28, %reduce_sum3A_29 [1] : vector<4096x128xf32> to vector<4096xf32>
    %broadcast_in_dim3A_31 = vector.shape_cast %reduce_sum3A_30 : vector<4096xf32> to vector<4096x1xf32>
    %div3A_32 = arith.constant 1.280000e+02 : f32
    %div3A_33 = vector.broadcast %div3A_32 : f32 to vector<4096x1xf32>
    %div3A_34 = arith.divf %broadcast_in_dim3A_31, %div3A_33 : vector<4096x1xf32>
    %reshape3A = vector.shape_cast %div3A_34 : vector<4096x1xf32> to vector<32x128xf32>
    %add3A_35 = arith.constant 9.99999974E-6 : f32
    %add3A_36 = vector.broadcast %add3A_35 : f32 to vector<32x128xf32>
    %add3A_37 = arith.addf %reshape3A, %add3A_36 : vector<32x128xf32>
    %sqrt3A = math.sqrt %add3A_37 : vector<32x128xf32>
    %div3A_38 = arith.constant 1.000000e+00 : f32
    %div3A_39 = vector.broadcast %div3A_38 : f32 to vector<32x128xf32>
    %div3A_40 = arith.divf %div3A_39, %sqrt3A : vector<32x128xf32>
    %reshape3A_41 = vector.shape_cast %div3A_40 : vector<32x128xf32> to vector<4096x1xf32>
    %mul3A_42 = vector.broadcast %reshape3A_41 : vector<4096x1xf32> to vector<4096x128xf32>
    %mul3A_43 = arith.mulf %sub3A_27, %mul3A_42 : vector<4096x128xf32>
    %convert_element_type3A = arith.truncf %mul3A_43 : vector<4096x128xf32> to vector<4096x128xbf16>
    %get3A_44 = arith.constant 0 : index
    %get3A_45 = arith.constant 0 : index
    %get3A_46 = vector.load %arg2[%get3A_44, %get3A_45] : memref<128x128xbf16, #tpu.memory_space<vmem>>, vector<128x128xbf16>
    %dot_general3A = arith.constant dense<0.000000e+00> : vector<4096x128xf32>
    %dot_general3A_47 = tpu.matmul %convert_element_type3A, %get3A_46, %dot_general3A {dimension_numbers = #tpu.dot_dimension_numbers<[1], [0], [0], [1], [0, 0, 1, 1], [], []>, transpose_lhs_hint = false} : vector<4096x128xbf16>, vector<128x128xbf16>, vector<4096x128xf32> -> vector<4096x128xf32>
    %get3A_48 = arith.constant 0 : index
    %get3A_49 = arith.constant 0 : index
    %get3A_50 = vector.load %arg3[%get3A_48, %get3A_49] : memref<1x128xf32, #tpu.memory_space<vmem>>, vector<1x128xf32>
    %add3A_51 = vector.broadcast %get3A_50 : vector<1x128xf32> to vector<4096x128xf32>
    %add3A_52 = arith.addf %dot_general3A_47, %add3A_51 : vector<4096x128xf32>
    %max3A = arith.constant 0.000000e+00 : f32
    %max3A_53 = vector.broadcast %max3A : f32 to vector<4096x128xf32>
    %max3A_54 = arith.maximumf %add3A_52, %max3A_53 : vector<4096x128xf32>
    %convert_element_type3A_55 = arith.truncf %max3A_54 : vector<4096x128xf32> to vector<4096x128xbf16>
    %get3A_56 = arith.constant 0 : index
    %get3A_57 = arith.constant 0 : index
    %get3A_58 = vector.load %arg4[%get3A_56, %get3A_57] : memref<128x1xbf16, #tpu.memory_space<vmem>>, vector<128x1xbf16>
    %dot_general3A_59 = arith.constant dense<0.000000e+00> : vector<4096x1xf32>
    %dot_general3A_60 = tpu.matmul %convert_element_type3A_55, %get3A_58, %dot_general3A_59 {dimension_numbers = #tpu.dot_dimension_numbers<[1], [0], [0], [1], [0, 0, 1, 1], [], []>, transpose_lhs_hint = false} : vector<4096x128xbf16>, vector<128x1xbf16>, vector<4096x1xf32> -> vector<4096x1xf32>
    %get3A_61 = arith.constant 0 : index
    %get3A_62 = arith.constant 0 : index
    %get3A_63 = vector.load %arg5[%get3A_61, %get3A_62] : memref<1x1xf32, #tpu.memory_space<vmem>>, vector<1x1xf32>
    %get3A_64 = vector.extract %get3A_63[0, 0] : f32 from vector<1x1xf32>
    %add3A_65 = vector.broadcast %get3A_64 : f32 to vector<4096x1xf32>
    %add3A_66 = arith.addf %dot_general3A_60, %add3A_65 : vector<4096x1xf32>
    %reshape3A_67 = vector.shape_cast %add3A_66 : vector<4096x1xf32> to vector<32x128xf32>
    %max3A_68 = arith.constant 0.000000e+00 : f32
    %max3A_69 = vector.broadcast %max3A_68 : f32 to vector<32x128xf32>
    %max3A_70 = arith.maximumf %reshape3A_67, %max3A_69 : vector<32x128xf32>
    %abs3A = math.absf %reshape3A_67 : vector<32x128xf32>
    %neg3A = arith.constant 0.000000e+00 : f32
    %neg3A_71 = vector.broadcast %neg3A : f32 to vector<32x128xf32>
    %neg3A_72 = arith.subf %neg3A_71, %abs3A : vector<32x128xf32>
    %exp3A = math.exp %neg3A_72 : vector<32x128xf32>
    %add3A_73 = arith.constant 1.000000e+00 : f32
    %add3A_74 = vector.broadcast %add3A_73 : f32 to vector<32x128xf32>
    %add3A_75 = arith.addf %add3A_74, %exp3A : vector<32x128xf32>
    %log3A = math.log %add3A_75 : vector<32x128xf32>
    %add3A_76 = arith.addf %max3A_70, %log3A : vector<32x128xf32>
    %sub3A_77 = arith.constant 1.000000e+00 : f32
    %sub3A_78 = vector.broadcast %sub3A_77 : f32 to vector<32x128xf32>
    %sub3A_79 = arith.subf %add3A_76, %sub3A_78 : vector<32x128xf32>
    %mul3A_80 = arith.constant 1.000000e+01 : f32
    %mul3A_81 = vector.broadcast %mul3A_80 : f32 to vector<32x128xf32>
    %mul3A_82 = arith.mulf %sub3A_79, %mul3A_81 : vector<32x128xf32>
    %abs3A_83 = math.absf %mul3A_82 : vector<32x128xf32>
    %neg3A_84 = arith.constant 0.000000e+00 : f32
    %neg3A_85 = vector.broadcast %neg3A_84 : f32 to vector<32x128xf32>
    %neg3A_86 = arith.subf %neg3A_85, %abs3A_83 : vector<32x128xf32>
    %exp3A_87 = math.exp %neg3A_86 : vector<32x128xf32>
    %ge3A = arith.constant 0.000000e+00 : f32
    %ge3A_88 = vector.broadcast %ge3A : f32 to vector<32x128xf32>
    %ge3A_89 = arith.cmpf oge, %mul3A_82, %ge3A_88 : vector<32x128xf32>
    %add3A_90 = arith.constant 1.000000e+00 : f32
    %add3A_91 = vector.broadcast %add3A_90 : f32 to vector<32x128xf32>
    %add3A_92 = arith.addf %add3A_91, %exp3A_87 : vector<32x128xf32>
    %div3A_93 = arith.constant 1.000000e+00 : f32
    %div3A_94 = vector.broadcast %div3A_93 : f32 to vector<32x128xf32>
    %div3A_95 = arith.divf %div3A_94, %add3A_92 : vector<32x128xf32>
    %add3A_96 = arith.constant 1.000000e+00 : f32
    %add3A_97 = vector.broadcast %add3A_96 : f32 to vector<32x128xf32>
    %add3A_98 = arith.addf %add3A_97, %exp3A_87 : vector<32x128xf32>
    %div3A_99 = arith.divf %exp3A_87, %add3A_98 : vector<32x128xf32>
    %select_n3A = arith.select %ge3A_89, %div3A_95, %div3A_99 : vector<32x128xi1>, vector<32x128xf32>
    %get3A_100 = arith.index_cast %arg0 : i32 to index
    %get3A_101 = memref.load %arg6[%get3A_100] : memref<8xi32, #tpu.memory_space<smem>>
    %iota3A = tpu.iota {dimensions = array<i32: 0>} : vector<32x128xi32>
    %mul3A_102 = arith.constant 128 : i32
    %mul3A_103 = vector.broadcast %mul3A_102 : i32 to vector<32x128xi32>
    %mul3A_104 = arith.muli %iota3A, %mul3A_103 : vector<32x128xi32>
    %iota3A_105 = tpu.iota {dimensions = array<i32: 1>} : vector<32x128xi32>
    %add3A_106 = arith.addi %mul3A_104, %iota3A_105 : vector<32x128xi32>
    %ge3A_107 = vector.broadcast %get3A_101 : i32 to vector<32x128xi32>
    %ge3A_108 = arith.cmpi sge, %add3A_106, %ge3A_107 : vector<32x128xi32>
    %jit3A = arith.constant 0.000000e+00 : f32
    %broadcast_in_dim3A_109 = vector.broadcast %jit3A : f32 to vector<32x128xf32>
    %select_n3A_110 = arith.select %ge3A_108, %broadcast_in_dim3A_109, %add3A_76 : vector<32x128xi1>, vector<32x128xf32>
    %jit3A_111 = arith.constant 0.000000e+00 : f32
    %broadcast_in_dim3A_112 = vector.broadcast %jit3A_111 : f32 to vector<32x128xf32>
    %select_n3A_113 = arith.select %ge3A_108, %broadcast_in_dim3A_112, %select_n3A : vector<32x128xi1>, vector<32x128xf32>
    %swap3A = arith.constant 0 : index
    %swap3A_114 = arith.constant 0 : index
    %swap3A_115 = arith.constant 0 : index
    %swap3A_116 = vector.load %arg9[%swap3A, %swap3A_114, %swap3A_115] : memref<1x32x128xf32, #tpu.memory_space<vmem>>, vector<1x32x128xf32>
    %swap3A_117 = vector.shape_cast %swap3A_116 : vector<1x32x128xf32> to vector<32x128xf32>
    %swap3A_118 = vector.shape_cast %select_n3A_110 : vector<32x128xf32> to vector<1x32x128xf32>
    tpu.vector_store %arg9[%swap3A, %swap3A_114, %swap3A_115], %swap3A_118 {strides = array<i32>} : memref<1x32x128xf32, #tpu.memory_space<vmem>>, vector<1x32x128xf32>,
    %reduce_sum3A_119 = vector.shape_cast %select_n3A_113 : vector<32x128xf32> to vector<1x32x128xf32>
    %reduce_sum3A_120 = arith.constant dense<0.000000e+00> : vector<1xf32>
    %reduce_sum3A_121 = vector.multi_reduction <add>, %reduce_sum3A_119, %reduce_sum3A_120 [1, 2] : vector<1x32x128xf32> to vector<1xf32>
    %reduce_sum3A_122 = vector.shape_cast %reduce_sum3A_121 : vector<1xf32> to vector<1x1x1xf32>
    %reduce_sum3A_123 = vector.extract %reduce_sum3A_122[0, 0, 0] : f32 from vector<1x1x1xf32>
    %get3A_124 = arith.index_cast %arg0 : i32 to index
    %get3A_125 = memref.load %arg7[%get3A_124] : memref<8xi32, #tpu.memory_space<smem>>
    %convert_element_type3A_126 = arith.sitofp %get3A_125 : i32 to f32
    %sub3A_127 = arith.subf %reduce_sum3A_123, %convert_element_type3A_126 : f32
    %abs3A_128 = math.absf %sub3A_127 : f32
    %mul3A_129 = arith.constant 1.250000e-01 : f32
    %mul3A_130 = arith.mulf %abs3A_128, %mul3A_129 : f32
    %broadcast_in_dim3A_131 = vector.broadcast %mul3A_130 : f32 to vector<1x1xf32>
    %eq3A = arith.constant 0 : i32
    %eq3A_132 = arith.cmpi eq, %arg0, %eq3A : i32
    %convert_element_type3A_133 = arith.extui %eq3A_132 : i1 to i32
    %cond3A = arith.constant 0 : i32
    %cond3A_134 = arith.cmpi ne, %convert_element_type3A_133, %cond3A : i32
    scf.if %cond3A_134 {
      %swap3A_245 = arith.constant 0 : index
      %swap3A_246 = arith.constant 0 : index
      %swap3A_247 = vector.load %arg10[%swap3A_245, %swap3A_246] : memref<1x1xf32, #tpu.memory_space<vmem>>, vector<1x1xf32>
      tpu.vector_store %arg10[%swap3A_245, %swap3A_246], %broadcast_in_dim3A_131 {strides = array<i32>} : memref<1x1xf32, #tpu.memory_space<vmem>>, vector<1x1xf32>,
    } else {
    }
    %gt3A = arith.constant 0 : i32
    %gt3A_135 = arith.cmpi sgt, %arg0, %gt3A : i32
    %convert_element_type3A_136 = arith.extui %gt3A_135 : i1 to i32
    %cond3A_137 = arith.constant 0 : i32
    %cond3A_138 = arith.cmpi ne, %convert_element_type3A_136, %cond3A_137 : i32
    scf.if %cond3A_138 {
      %get3A_245 = arith.constant 0 : index
      %get3A_246 = arith.constant 0 : index
      %get3A_247 = vector.load %arg10[%get3A_245, %get3A_246] : memref<1x1xf32, #tpu.memory_space<vmem>>, vector<1x1xf32>
      %add3A_248 = arith.addf %get3A_247, %broadcast_in_dim3A_131 : vector<1x1xf32>
      %swap3A_249 = arith.constant 0 : index
      %swap3A_250 = arith.constant 0 : index
      %swap3A_251 = vector.load %arg10[%swap3A_249, %swap3A_250] : memref<1x1xf32, #tpu.memory_space<vmem>>, vector<1x1xf32>
      tpu.vector_store %arg10[%swap3A_249, %swap3A_250], %add3A_248 {strides = array<i32>} : memref<1x1xf32, #tpu.memory_space<vmem>>, vector<1x1xf32>,
    } else {
    }
    %gt3A_139 = arith.constant 1.000000e+00 : f32
    %gt3A_140 = vector.broadcast %gt3A_139 : f32 to vector<32x128xf32>
    %gt3A_141 = arith.cmpf ogt, %select_n3A_110, %gt3A_140 : vector<32x128xf32>
    %convert_element_type3A_142 = arith.extui %gt3A_141 : vector<32x128xi1> to vector<32x128xi32>
    %convert_element_type3A_143 = arith.sitofp %convert_element_type3A_142 : vector<32x128xi32> to vector<32x128xf32>
    %iota3A_144 = tpu.iota {dimensions = array<i32: 0>} : vector<128x128xi32>
    %iota3A_145 = tpu.iota {dimensions = array<i32: 1>} : vector<128x128xi32>
    %le3A = arith.cmpi sle, %iota3A_144, %iota3A_145 : vector<128x128xi32>
    %convert_element_type3A_146 = arith.extui %le3A : vector<128x128xi1> to vector<128x128xi32>
    %convert_element_type3A_147 = arith.sitofp %convert_element_type3A_146 : vector<128x128xi32> to vector<128x128xf32>
    %dot_general3A_148 = arith.constant dense<0.000000e+00> : vector<32x128xf32>
    %dot_general3A_149 = tpu.matmul %convert_element_type3A_143, %convert_element_type3A_147, %dot_general3A_148 {dimension_numbers = #tpu.dot_dimension_numbers<[1], [0], [0], [1], [0, 0, 1, 1], [], []>, transpose_lhs_hint = false} : vector<32x128xf32>, vector<128x128xf32>, vector<32x128xf32> -> vector<32x128xf32>
    %slice3A_150 = vector.extract_strided_slice %dot_general3A_149 {offsets = [0, 127], sizes = [32, 1], strides = [1, 1]} : vector<32x128xf32> to vector<32x1xf32>
    %iota3A_151 = tpu.iota {dimensions = array<i32: 0>} : vector<32x32xi32>
    %iota3A_152 = tpu.iota {dimensions = array<i32: 1>} : vector<32x32xi32>
    %lt3A = arith.cmpi slt, %iota3A_152, %iota3A_151 : vector<32x32xi32>
    %convert_element_type3A_153 = arith.extui %lt3A : vector<32x32xi1> to vector<32x32xi32>
    %convert_element_type3A_154 = arith.sitofp %convert_element_type3A_153 : vector<32x32xi32> to vector<32x32xf32>
    %dot_general3A_155 = arith.constant dense<0.000000e+00> : vector<32x1xf32>
    %dot_general3A_156 = tpu.matmul %convert_element_type3A_154, %slice3A_150, %dot_general3A_155 {dimension_numbers = #tpu.dot_dimension_numbers<[1], [0], [0], [1], [0, 0, 1, 1], [], []>, transpose_lhs_hint = false} : vector<32x32xf32>, vector<32x1xf32>, vector<32x1xf32> -> vector<32x1xf32>
    %add3A_157 = vector.broadcast %dot_general3A_156 : vector<32x1xf32> to vector<32x128xf32>
    %add3A_158 = arith.addf %dot_general3A_149, %add3A_157 : vector<32x128xf32>
    %reduce_sum3A_159 = vector.shape_cast %convert_element_type3A_143 : vector<32x128xf32> to vector<1x32x128xf32>
    %reduce_sum3A_160 = arith.constant dense<0.000000e+00> : vector<1xf32>
    %reduce_sum3A_161 = vector.multi_reduction <add>, %reduce_sum3A_159, %reduce_sum3A_160 [1, 2] : vector<1x32x128xf32> to vector<1xf32>
    %reduce_sum3A_162 = vector.shape_cast %reduce_sum3A_161 : vector<1xf32> to vector<1x1x1xf32>
    %reduce_sum3A_163 = vector.extract %reduce_sum3A_162[0, 0, 0] : f32 from vector<1x1x1xf32>
    %iota3A_164 = tpu.iota {dimensions = array<i32: 2>} : vector<1x1x128xi32>
    %add3A_165 = arith.constant 1 : i32
    %add3A_166 = vector.broadcast %add3A_165 : i32 to vector<1x1x128xi32>
    %add3A_167 = arith.addi %iota3A_164, %add3A_166 : vector<1x1x128xi32>
    %convert_element_type3A_168 = arith.sitofp %add3A_167 : vector<1x1x128xi32> to vector<1x1x128xf32>
    %broadcast_in_dim3A_169 = vector.shape_cast %add3A_158 : vector<32x128xf32> to vector<32x128x1xf32>
    %lt3A_170 = vector.broadcast %broadcast_in_dim3A_169 : vector<32x128x1xf32> to vector<32x128x128xf32>
    %lt3A_171 = vector.broadcast %convert_element_type3A_168 : vector<1x1x128xf32> to vector<32x128x128xf32>
    %lt3A_172 = arith.cmpf olt, %lt3A_170, %lt3A_171 : vector<32x128x128xf32>
    %convert_element_type3A_173 = arith.extui %lt3A_172 : vector<32x128x128xi1> to vector<32x128x128xi32>
    %convert_element_type3A_174 = arith.sitofp %convert_element_type3A_173 : vector<32x128x128xi32> to vector<32x128x128xf32>
    %reduce_sum3A_175 = arith.constant dense<0.000000e+00> : vector<128xf32>
    %reduce_sum3A_176 = vector.multi_reduction <add>, %convert_element_type3A_174, %reduce_sum3A_175 [0, 1] : vector<32x128x128xf32> to vector<128xf32>
    %convert_element_type3A_177 = arith.fptosi %reduce_sum3A_176 : vector<128xf32> to vector<128xi32>
    %jit3A_178 = arith.constant 0 : i32
    %jit3A_179 = arith.constant 4095 : i32
    %max3A_180 = vector.broadcast %jit3A_178 : i32 to vector<128xi32>
    %max3A_181 = arith.maxsi %max3A_180, %convert_element_type3A_177 : vector<128xi32>
    %min3A = vector.broadcast %jit3A_179 : i32 to vector<128xi32>
    %min3A_182 = arith.minsi %min3A, %max3A_181 : vector<128xi32>
    %reshape3A_183 = vector.shape_cast %min3A_182 : vector<128xi32> to vector<1x128xi32>
    %mul3A_184 = arith.constant 4096 : i32
    %mul3A_185 = arith.muli %arg0, %mul3A_184 : i32
    %add3A_186 = vector.broadcast %mul3A_185 : i32 to vector<1x128xi32>
    %add3A_187 = arith.addi %reshape3A_183, %add3A_186 : vector<1x128xi32>
    %swap3A_188 = arith.constant 0 : index
    %swap3A_189 = arith.constant 0 : index
    %swap3A_190 = arith.constant 0 : index
    %swap3A_191 = vector.load %arg11[%swap3A_188, %swap3A_189, %swap3A_190] : memref<1x1x128xi32, #tpu.memory_space<vmem>>, vector<1x1x128xi32>
    %swap3A_192 = vector.shape_cast %swap3A_191 : vector<1x1x128xi32> to vector<1x128xi32>
    %swap3A_193 = vector.shape_cast %add3A_187 : vector<1x128xi32> to vector<1x1x128xi32>
    tpu.vector_store %arg11[%swap3A_188, %swap3A_189, %swap3A_190], %swap3A_193 {strides = array<i32>} : memref<1x1x128xi32, #tpu.memory_space<vmem>>, vector<1x1x128xi32>,
    %jit3A_194 = arith.constant 8 : i32
    %div3A_195 = vector.broadcast %jit3A_194 : i32 to vector<1x128xi32>
    %div3A_196 = arith.divsi %reshape3A_183, %div3A_195 : vector<1x128xi32>
    %sign3A = arith.constant 0 : i32
    %sign3A_197 = vector.broadcast %sign3A : i32 to vector<1x128xi32>
    %sign3A_198 = arith.cmpi sgt, %reshape3A_183, %sign3A_197 : vector<1x128xi32>
    %sign3A_199 = arith.extui %sign3A_198 : vector<1x128xi1> to vector<1x128xi32>
    %sign3A_200 = arith.constant 0 : i32
    %sign3A_201 = vector.broadcast %sign3A_200 : i32 to vector<1x128xi32>
    %sign3A_202 = arith.cmpi slt, %reshape3A_183, %sign3A_201 : vector<1x128xi32>
    %sign3A_203 = arith.extui %sign3A_202 : vector<1x128xi1> to vector<1x128xi32>
    %sign3A_204 = arith.subi %sign3A_199, %sign3A_203 : vector<1x128xi32>
    %sign3A_205 = arith.constant 0 : i32
    %sign3A_206 = arith.cmpi sgt, %jit3A_194, %sign3A_205 : i32
    %sign3A_207 = arith.extui %sign3A_206 : i1 to i32
    %sign3A_208 = arith.constant 0 : i32
    %sign3A_209 = arith.cmpi slt, %jit3A_194, %sign3A_208 : i32
    %sign3A_210 = arith.extui %sign3A_209 : i1 to i32
    %sign3A_211 = arith.subi %sign3A_207, %sign3A_210 : i32
    %ne3A = vector.broadcast %sign3A_211 : i32 to vector<1x128xi32>
    %ne3A_212 = arith.cmpi ne, %sign3A_204, %ne3A : vector<1x128xi32>
    %rem3A = vector.broadcast %jit3A_194 : i32 to vector<1x128xi32>
    %rem3A_213 = arith.remsi %reshape3A_183, %rem3A : vector<1x128xi32>
    %ne3A_214 = arith.constant 0 : i32
    %ne3A_215 = vector.broadcast %ne3A_214 : i32 to vector<1x128xi32>
    %ne3A_216 = arith.cmpi ne, %rem3A_213, %ne3A_215 : vector<1x128xi32>
    %and3A = arith.andi %ne3A_212, %ne3A_216 : vector<1x128xi1>
    %sub3A_217 = arith.constant 1 : i32
    %sub3A_218 = vector.broadcast %sub3A_217 : i32 to vector<1x128xi32>
    %sub3A_219 = arith.subi %div3A_196, %sub3A_218 : vector<1x128xi32>
    %select_n3A_220 = arith.select %and3A, %sub3A_219, %div3A_196 : vector<1x128xi1>, vector<1x128xi32>
    %jit3A_221 = arith.constant 0 : i32
    %jit3A_222 = arith.constant 511 : i32
    %max3A_223 = vector.broadcast %jit3A_221 : i32 to vector<1x128xi32>
    %max3A_224 = arith.maxsi %max3A_223, %select_n3A_220 : vector<1x128xi32>
    %min3A_225 = vector.broadcast %jit3A_222 : i32 to vector<1x128xi32>
    %min3A_226 = arith.minsi %min3A_225, %max3A_224 : vector<1x128xi32>
    %swap3A_227 = arith.constant 0 : index
    %swap3A_228 = arith.constant 0 : index
    %swap3A_229 = arith.constant 0 : index
    %swap3A_230 = vector.load %arg12[%swap3A_227, %swap3A_228, %swap3A_229] : memref<1x1x128xi32, #tpu.memory_space<vmem>>, vector<1x1x128xi32>
    %swap3A_231 = vector.shape_cast %swap3A_230 : vector<1x1x128xi32> to vector<1x128xi32>
    %swap3A_232 = vector.shape_cast %min3A_226 : vector<1x128xi32> to vector<1x1x128xi32>
    tpu.vector_store %arg12[%swap3A_227, %swap3A_228, %swap3A_229], %swap3A_232 {strides = array<i32>} : memref<1x1x128xi32, #tpu.memory_space<vmem>>, vector<1x1x128xi32>,
    %iota3A_233 = tpu.iota {dimensions = array<i32: 0>} : vector<128x1xi32>
    %convert_element_type3A_234 = arith.fptosi %reduce_sum3A_163 : f32 to i32
    %lt3A_235 = vector.broadcast %convert_element_type3A_234 : i32 to vector<128x1xi32>
    %lt3A_236 = arith.cmpi slt, %iota3A_233, %lt3A_235 : vector<128x1xi32>
    %convert_element_type3A_237 = arith.extui %lt3A_236 : vector<128x1xi1> to vector<128x1xi32>
    %convert_element_type3A_238 = arith.sitofp %convert_element_type3A_237 : vector<128x1xi32> to vector<128x1xf32>
    %swap3A_239 = arith.constant 0 : index
    %swap3A_240 = arith.constant 0 : index
    %swap3A_241 = arith.constant 0 : index
    %swap3A_242 = vector.load %arg13[%swap3A_239, %swap3A_240, %swap3A_241] : memref<1x128x1xf32, #tpu.memory_space<vmem>>, vector<1x128x1xf32>
    %swap3A_243 = vector.shape_cast %swap3A_242 : vector<1x128x1xf32> to vector<128x1xf32>
    %swap3A_244 = vector.shape_cast %convert_element_type3A_238 : vector<128x1xf32> to vector<1x128x1xf32>
    tpu.vector_store %arg13[%swap3A_239, %swap3A_240, %swap3A_241], %swap3A_244 {strides = array<i32>} : memref<1x128x1xf32, #tpu.memory_space<vmem>>, vector<1x128x1xf32>,
    return
  }
  func.func @transform_0(%arg0: i32) -> (i32, i32) {
    %c0_i32 = arith.constant 0 : i32
    %c0_i32_0 = arith.constant 0 : i32
    %c0_i32_1 = arith.constant 0 : i32
    return %c0_i32, %c0_i32_0 : i32, i32
  }
  func.func @transform_1(%arg0: i32) -> (i32, i32) {
    %c0_i32 = arith.constant 0 : i32
    %c0_i32_0 = arith.constant 0 : i32
    %c0_i32_1 = arith.constant 0 : i32
    return %c0_i32, %c0_i32_0 : i32, i32
  }
  func.func @transform_2(%arg0: i32) -> (i32, i32) {
    %c0_i32 = arith.constant 0 : i32
    %c0_i32_0 = arith.constant 0 : i32
    %c0_i32_1 = arith.constant 0 : i32
    return %c0_i32, %c0_i32_0 : i32, i32
  }
  func.func @transform_3(%arg0: i32) -> (i32, i32) {
    %c0_i32 = arith.constant 0 : i32
    %c0_i32_0 = arith.constant 0 : i32
    %c0_i32_1 = arith.constant 0 : i32
    return %c0_i32, %c0_i32_0 : i32, i32
  }
  func.func @transform_4(%arg0: i32) -> (i32, i32) {
    %c0_i32 = arith.constant 0 : i32
    %c0_i32_0 = arith.constant 0 : i32
    %c0_i32_1 = arith.constant 0 : i32
    return %c0_i32, %c0_i32_0 : i32, i32
  }
  func.func @transform_5(%arg0: i32) -> i32 {
    %c0_i32 = arith.constant 0 : i32
    %c0_i32_0 = arith.constant 0 : i32
    return %c0_i32 : i32
  }
  func.func @transform_6(%arg0: i32) -> i32 {
    %c0_i32 = arith.constant 0 : i32
    %c0_i32_0 = arith.constant 0 : i32
    return %c0_i32 : i32
  }
  func.func @transform_7(%arg0: i32) -> (i32, i32, i32) {
    %c0_i32 = arith.constant 0 : i32
    %c0_i32_0 = arith.constant 0 : i32
    %c0_i32_1 = arith.constant 0 : i32
    return %arg0, %c0_i32, %c0_i32_0 : i32, i32, i32
  }
  func.func @transform_8(%arg0: i32) -> (i32, i32, i32) {
    %c0_i32 = arith.constant 0 : i32
    %c0_i32_0 = arith.constant 0 : i32
    %c0_i32_1 = arith.constant 0 : i32
    return %arg0, %c0_i32, %c0_i32_0 : i32, i32, i32
  }
  func.func @transform_9(%arg0: i32) -> (i32, i32) {
    %c0_i32 = arith.constant 0 : i32
    %c0_i32_0 = arith.constant 0 : i32
    %c0_i32_1 = arith.constant 0 : i32
    return %c0_i32, %c0_i32_0 : i32, i32
  }
  func.func @transform_10(%arg0: i32) -> (i32, i32, i32) {
    %c0_i32 = arith.constant 0 : i32
    %c0_i32_0 = arith.constant 0 : i32
    %c0_i32_1 = arith.constant 0 : i32
    return %arg0, %c0_i32, %c0_i32_0 : i32, i32, i32
  }
  func.func @transform_11(%arg0: i32) -> (i32, i32, i32) {
    %c0_i32 = arith.constant 0 : i32
    %c0_i32_0 = arith.constant 0 : i32
    %c0_i32_1 = arith.constant 0 : i32
    return %arg0, %c0_i32, %c0_i32_0 : i32, i32, i32
  }
  func.func @transform_12(%arg0: i32) -> (i32, i32, i32) {
    %c0_i32 = arith.constant 0 : i32
    %c0_i32_0 = arith.constant 0 : i32
    %c0_i32_1 = arith.constant 0 : i32
    return %arg0, %c0_i32, %c0_i32_0 : i32, i32, i32
  }
}

module attributes {stable_mosaic.version = 14 : i64} {
  func.func @_comb_body(%arg0: i32, %arg1: memref<128x512xf32, #tpu.memory_space<vmem>>, %arg2: memref<192x512xf32, #tpu.memory_space<vmem>>, %arg3: memref<1x512xf32, #tpu.memory_space<vmem>>, %arg4: memref<1x128x128xf32, #tpu.memory_space<vmem>>, %arg5: memref<1x512x192xf32, #tpu.memory_space<vmem>>, %arg6: memref<1x1x128xi32, #tpu.memory_space<vmem>>, %arg7: memref<1x128x1xf32, #tpu.memory_space<vmem>>, %arg8: memref<1x128x512xf32, #tpu.memory_space<vmem>>) attributes {dimension_semantics = [#tpu.dimension_semantics<arbitrary>], iteration_bounds = array<i64: 8>, scalar_prefetch = 0 : i64, scratch_operands = 0 : i64, tpu.core_type = #tpu.core_type<tc>, window_params = [{pipeline_mode = #tpu.pipeline_mode<synchronous>, transform_indices = @transform_0, window_bounds = array<i64: 128, 512>}, {pipeline_mode = #tpu.pipeline_mode<synchronous>, transform_indices = @transform_1, window_bounds = array<i64: 192, 512>}, {pipeline_mode = #tpu.pipeline_mode<synchronous>, transform_indices = @transform_2, window_bounds = array<i64: 1, 512>}, {transform_indices = @transform_3, window_bounds = array<i64: 1, 128, 128>}, {transform_indices = @transform_4, window_bounds = array<i64: 1, 512, 192>}, {transform_indices = @transform_5, window_bounds = array<i64: 1, 1, 128>}, {transform_indices = @transform_6, window_bounds = array<i64: 1, 128, 1>}, {transform_indices = @transform_7, window_bounds = array<i64: 1, 128, 512>}]} {
    %get3A = arith.constant 0 : index
    %get3A_0 = arith.constant 0 : index
    %get3A_1 = arith.constant 0 : index
    %get3A_2 = vector.load %arg4[%get3A, %get3A_0, %get3A_1] : memref<1x128x128xf32, #tpu.memory_space<vmem>>, vector<1x128x128xf32>
    %get3A_3 = vector.shape_cast %get3A_2 : vector<1x128x128xf32> to vector<128x128xf32>
    %get3A_4 = arith.constant 0 : index
    %get3A_5 = arith.constant 0 : index
    %get3A_6 = arith.constant 0 : index
    %get3A_7 = vector.load %arg7[%get3A_4, %get3A_5, %get3A_6] : memref<1x128x1xf32, #tpu.memory_space<vmem>>, vector<1x128x1xf32>
    %get3A_8 = vector.shape_cast %get3A_7 : vector<1x128x1xf32> to vector<128x1xf32>
    %mul3A = vector.broadcast %get3A_8 : vector<128x1xf32> to vector<128x128xf32>
    %mul3A_9 = arith.mulf %get3A_3, %mul3A : vector<128x128xf32>
    %iota3A = tpu.iota {dimensions = array<i32: 0>} : vector<512x1xi32>
    %get3A_10 = arith.constant 0 : index
    %get3A_11 = arith.constant 0 : index
    %get3A_12 = arith.constant 0 : index
    %get3A_13 = vector.load %arg6[%get3A_10, %get3A_11, %get3A_12] : memref<1x1x128xi32, #tpu.memory_space<vmem>>, vector<1x1x128xi32>
    %get3A_14 = vector.shape_cast %get3A_13 : vector<1x1x128xi32> to vector<1x128xi32>
    %eq3A = vector.broadcast %iota3A : vector<512x1xi32> to vector<512x128xi32>
    %eq3A_15 = vector.broadcast %get3A_14 : vector<1x128xi32> to vector<512x128xi32>
    %eq3A_16 = arith.cmpi eq, %eq3A, %eq3A_15 : vector<512x128xi32>
    %convert_element_type3A = arith.extui %eq3A_16 : vector<512x128xi1> to vector<512x128xi32>
    %convert_element_type3A_17 = arith.sitofp %convert_element_type3A : vector<512x128xi32> to vector<512x128xf32>
    %convert_element_type3A_18 = arith.truncf %convert_element_type3A_17 : vector<512x128xf32> to vector<512x128xbf16>
    %get3A_19 = arith.constant 0 : index
    %get3A_20 = arith.constant 0 : index
    %get3A_21 = arith.constant 0 : index
    %get3A_22 = vector.load %arg5[%get3A_19, %get3A_20, %get3A_21] : memref<1x512x192xf32, #tpu.memory_space<vmem>>, vector<1x512x192xf32>
    %get3A_23 = vector.shape_cast %get3A_22 : vector<1x512x192xf32> to vector<512x192xf32>
    %convert_element_type3A_24 = arith.truncf %get3A_23 : vector<512x192xf32> to vector<512x192xbf16>
    %dot_general3A = arith.constant dense<0.000000e+00> : vector<128x192xf32>
    %dot_general3A_25 = tpu.matmul %convert_element_type3A_18, %convert_element_type3A_24, %dot_general3A {dimension_numbers = #tpu.dot_dimension_numbers<[0], [0], [1], [1], [0, 1, 1, 1], [], []>, transpose_lhs_hint = false} : vector<512x128xbf16>, vector<512x192xbf16>, vector<128x192xf32> -> vector<128x192xf32>
    %get3A_26 = arith.constant 0 : index
    %get3A_27 = arith.constant 0 : index
    %get3A_28 = vector.load %arg1[%get3A_26, %get3A_27] : memref<128x512xf32, #tpu.memory_space<vmem>>, vector<128x512xf32>
    %dot_general3A_29 = arith.constant dense<0.000000e+00> : vector<128x512xf32>
    %dot_general3A_30 = tpu.matmul %mul3A_9, %get3A_28, %dot_general3A_29 {dimension_numbers = #tpu.dot_dimension_numbers<[1], [0], [0], [1], [0, 0, 1, 1], [], []>, transpose_lhs_hint = false} : vector<128x128xf32>, vector<128x512xf32>, vector<128x512xf32> -> vector<128x512xf32>
    %get3A_31 = arith.constant 0 : index
    %get3A_32 = arith.constant 0 : index
    %get3A_33 = vector.load %arg2[%get3A_31, %get3A_32] : memref<192x512xf32, #tpu.memory_space<vmem>>, vector<192x512xf32>
    %dot_general3A_34 = arith.constant dense<0.000000e+00> : vector<128x512xf32>
    %dot_general3A_35 = tpu.matmul %dot_general3A_25, %get3A_33, %dot_general3A_34 {dimension_numbers = #tpu.dot_dimension_numbers<[1], [0], [0], [1], [0, 0, 1, 1], [], []>, transpose_lhs_hint = false} : vector<128x192xf32>, vector<192x512xf32>, vector<128x512xf32> -> vector<128x512xf32>
    %add3A = arith.addf %dot_general3A_30, %dot_general3A_35 : vector<128x512xf32>
    %get3A_36 = arith.constant 0 : index
    %get3A_37 = arith.constant 0 : index
    %get3A_38 = vector.load %arg3[%get3A_36, %get3A_37] : memref<1x512xf32, #tpu.memory_space<vmem>>, vector<1x512xf32>
    %add3A_39 = vector.broadcast %get3A_38 : vector<1x512xf32> to vector<128x512xf32>
    %add3A_40 = arith.addf %add3A, %add3A_39 : vector<128x512xf32>
    %swap3A = arith.constant 0 : index
    %swap3A_41 = arith.constant 0 : index
    %swap3A_42 = arith.constant 0 : index
    %swap3A_43 = vector.load %arg8[%swap3A, %swap3A_41, %swap3A_42] : memref<1x128x512xf32, #tpu.memory_space<vmem>>, vector<1x128x512xf32>
    %swap3A_44 = vector.shape_cast %swap3A_43 : vector<1x128x512xf32> to vector<128x512xf32>
    %swap3A_45 = vector.shape_cast %add3A_40 : vector<128x512xf32> to vector<1x128x512xf32>
    tpu.vector_store %arg8[%swap3A, %swap3A_41, %swap3A_42], %swap3A_45 {strides = array<i32>} : memref<1x128x512xf32, #tpu.memory_space<vmem>>, vector<1x128x512xf32>,
    return
  }
  func.func @transform_0(%arg0: i32) -> (i32, i32) {
    %c0_i32 = arith.constant 0 : i32
    %c0_i32_0 = arith.constant 0 : i32
    %c0_i32_1 = arith.constant 0 : i32
    return %c0_i32, %c0_i32_0 : i32, i32
  }
  func.func @transform_1(%arg0: i32) -> (i32, i32) {
    %c0_i32 = arith.constant 0 : i32
    %c0_i32_0 = arith.constant 0 : i32
    %c0_i32_1 = arith.constant 0 : i32
    return %c0_i32, %c0_i32_0 : i32, i32
  }
  func.func @transform_2(%arg0: i32) -> (i32, i32) {
    %c0_i32 = arith.constant 0 : i32
    %c0_i32_0 = arith.constant 0 : i32
    %c0_i32_1 = arith.constant 0 : i32
    return %c0_i32, %c0_i32_0 : i32, i32
  }
  func.func @transform_3(%arg0: i32) -> (i32, i32, i32) {
    %c0_i32 = arith.constant 0 : i32
    %c0_i32_0 = arith.constant 0 : i32
    %c0_i32_1 = arith.constant 0 : i32
    return %arg0, %c0_i32, %c0_i32_0 : i32, i32, i32
  }
  func.func @transform_4(%arg0: i32) -> (i32, i32, i32) {
    %c0_i32 = arith.constant 0 : i32
    %c0_i32_0 = arith.constant 0 : i32
    %c0_i32_1 = arith.constant 0 : i32
    return %arg0, %c0_i32, %c0_i32_0 : i32, i32, i32
  }
  func.func @transform_5(%arg0: i32) -> (i32, i32, i32) {
    %c0_i32 = arith.constant 0 : i32
    %c0_i32_0 = arith.constant 0 : i32
    %c0_i32_1 = arith.constant 0 : i32
    return %arg0, %c0_i32, %c0_i32_0 : i32, i32, i32
  }
  func.func @transform_6(%arg0: i32) -> (i32, i32, i32) {
    %c0_i32 = arith.constant 0 : i32
    %c0_i32_0 = arith.constant 0 : i32
    %c0_i32_1 = arith.constant 0 : i32
    return %arg0, %c0_i32, %c0_i32_0 : i32, i32, i32
  }
  func.func @transform_7(%arg0: i32) -> (i32, i32, i32) {
    %c0_i32 = arith.constant 0 : i32
    %c0_i32_0 = arith.constant 0 : i32
    %c0_i32_1 = arith.constant 0 : i32
    return %arg0, %c0_i32, %c0_i32_0 : i32, i32, i32
  }
}

</mosaic_0001>

<sc_bundles>
// kernel: _cif_run.5.cloned.1.call-start
scs
__scs_entry_jumppad:
0x0: {  	(pc) =	sbr.rel $0x88, $3  }
0x1: {  	(tag) =	ssettag $0x0;
	lr =	simm.s32 $0x1  }
0x2: {  	[smem:$0x3F94] =	sst lr;
	_ =	strace $0xD0000000  }
0x3: {  	_ = 	snop  }
0x4: {  	_ = 	snop  }
0x5: {  	_ = 	snop  }
0x6: {  	_ = 	snop  }
0x7: {  	_ = 	snop  }
__scs_overlays_trampoline_lowered:
0x8: {  	[smem:$0x3FA3] =	sst s0  }
0x9: {  	[smem:$0x3FA4] =	sst s1  }
0xa: {  	[smem:$0x3FA5] =	sst s2  }
0xb: {  	[smem:$0x3FA6] =	sst s3  }
0xc: {  	[smem:$0x3FA7] =	sst s4  }
0xd: {  	[smem:$0x3FA8] =	sst s5  }
0xe: {  	[smem:$0x3FA9] =	sst s6  }
0xf: {  	[smem:$0x3FAA] =	sst s7  }
0x10: {  	[smem:$0x3FAB] =	sst s8  }
0x11: {  	[smem:$0x3FAC] =	sst s9;
	s0 =	simm.s32 @!p0 $0x0  }
0x12: {  	s1 =	sld [smem:$0x3F92];
	s0 =	simm.s32 @p0 $0x1  }
0x13: {  	[smem:$0x3FAD] =	sst s0;
	s0 =	simm.s32 @!p1 $0x0  }
0x14: {  	s2 =	sld [smem:$0x3F91];
	s0 =	simm.s32 @p1 $0x1  }
0x15: {  	[smem:$0x3FAE] =	sst s0;
	s0 =	simm.s32 @!p2 $0x0  }
0x16: {  	s3 =	sld [smem:$0x3FDB];
	s0 =	simm.s32 @p2 $0x1  }
0x17: {  	s4 =	simm.s32 $0x1BF5;
	[smem:$0x3FB0] =	sst s0  }
0x18: {  	s0 =	sld [smem:$0x3F93];
	_ =	swait.ge [sflag:s4], $0x0  }
0x19: {  	s7 =	sld [smem:$0x3F94]  }
0x1a: {  	s8 =	sadd.s32 $0xFFFFE003, lr  }
0x1b: {  	s9 =	sadd.s32 $0xFFFFFEF7, lr;
	s5 =	simm.s32 $0xFFFFFFFF;
	p2 =	slt.u32 s8, $0xFFFFF086  }
0x1c: {  	p1 =	slt.u32 s9, $0xF7A;
	s5 =	simm.s32 @!p2 $0x0  }
0x1d: {  	s5 =	simm.s32 @p1 $0x1;
	p0 =	seq.s32 s7, s2  }
0x1e: {  	s7 =	smul.u32 @!p0 $0xF7A, s2;
	p2 =	seq.s32 @!p0 s5, $0x0  }
0x1f: {  	s9 =	smul.u32 $0xF7A, s1;
	s8 =	simm.s32 @!p0 $0x1BF5;
	p2 =	por !p2, p0  }
0x20: {  	[sflag:s8] =	ssyncset.s32 @!p0 $0xFFFFF086;
	s6 =	sadd.s32 @!p0 s3, s7;
	s7 =	simm.s32 @!p0 $0x108  }
0x21: {  	s3 =	sadd.s32 s3, s9;
	s6 =	sadd.s32 @!p0 $0x88, s6;
	s7 =	simm.s32 @p2 $0x1082  }
0x22: {  	[simem:s7], [sflag:s8] =	dma.local @!p0 [hbm:s6], $0xF7A  }
0x23: {  	s9 =	sor.u32 $0xD0000000, s2;
	s6 =	simm.s32 $0x108;
	_ =	swait.ge @!p0 [sflag:s8], $0x0  }
0x24: {  	s3 =	sadd.s32 $0x88, s3;
	s6 =	simm.s32 @!p1 $0x1082;
	[sflag:s4] =	ssyncset.s32 $0xFFFFF086  }
0x25: {  	[simem:s6], [sflag:s4] =	dma.local [hbm:s3], $0xF7A  }
0x26: {  	[smem:$0x3F94] =	sst s1;
	(tag) =	ssettag s2;
	_ =	strace s9  }
0x27: {  	s1 =	sld [smem:$0x3FA4]  }
0x28: {  	s2 =	sld [smem:$0x3FA5]  }
0x29: {  	s4 =	sld [smem:$0x3FA7]  }
0x2a: {  	p0 =	seq.s32 s5, $0x0;
	s5 =	sld [smem:$0x3FA8]  }
0x2b: {  	s6 =	sld [smem:$0x3FA9]  }
0x2c: {  	s7 =	sld [smem:$0x3FAA]  }
0x2d: {  	s3 =	simm.s32 $0x108;
	s8 =	sld [smem:$0x3FAB]  }
0x2e: {  	s3 =	simm.s32 @!p0 $0x1082;
	s9 =	sld [smem:$0x3FAC]  }
0x2f: {  	lr =	sadd.s32 s0, s3;
	s0 =	sld [smem:$0x3FA3]  }
0x30: {  	s3 =	sld [smem:$0x3FA6]  }
0x31: {  	[smem:$0x3FAF] =	sst s10  }
0x32: {  	s10 =	sld [smem:$0x3FAD];
	_ =	sdelay $0x3  }
0x33: {  	p0 =	seq.s32 s10, $0x1;
	s10 =	sld [smem:$0x3FAF];
	_ =	sdelay $0x3  }
0x34: {  	[smem:$0x3FAF] =	sst s10  }
0x35: {  	s10 =	sld [smem:$0x3FAE];
	_ =	sdelay $0x3  }
0x36: {  	p1 =	seq.s32 s10, $0x1;
	s10 =	sld [smem:$0x3FAF];
	_ =	sdelay $0x3  }
0x37: {  	[smem:$0x3FAF] =	sst s10  }
0x38: {  	s10 =	sld [smem:$0x3FB0]  }
0x39: {  	_ = 	snop;
	(pc) =	sbr.ind lr, $3  }
0x3a: {  	_ = 	snop  }
0x3b: {  	_ = 	snop  }
0x3c: {  	p2 =	seq.s32 s10, $0x1;
	s10 =	sld [smem:$0x3FAF]  }
0x3d: {  	_ =	shalt  }
0x3e: {  	_ =	shalt  }
0x3f: {  	_ =	shalt  }
0x40: {  	_ =	shalt  }
0x41: {  	_ =	shalt  }
0x42: {  	_ =	shalt  }
0x43: {  	_ =	shalt  }
0x44: {  	_ =	shalt  }
0x45: {  	_ =	shalt  }
0x46: {  	_ =	shalt  }
0x47: {  	_ =	shalt  }
0x48: {  	_ =	shalt  }
0x49: {  	_ =	shalt  }
0x4a: {  	_ =	shalt  }
0x4b: {  	_ =	shalt  }
0x4c: {  	_ =	shalt  }
0x4d: {  	_ =	shalt  }
0x4e: {  	_ =	shalt  }
0x4f: {  	_ =	shalt  }
0x50: {  	_ =	shalt  }
0x51: {  	_ =	shalt  }
0x52: {  	_ =	shalt  }
0x53: {  	_ =	shalt  }
0x54: {  	_ =	shalt  }
0x55: {  	_ =	shalt  }
0x56: {  	_ =	shalt  }
0x57: {  	_ =	shalt  }
0x58: {  	_ =	shalt  }
0x59: {  	_ =	shalt  }
0x5a: {  	_ =	shalt  }
0x5b: {  	_ =	shalt  }
0x5c: {  	_ =	shalt  }
0x5d: {  	_ =	shalt  }
0x5e: {  	_ =	shalt  }
0x5f: {  	_ =	shalt  }
0x60: {  	_ =	shalt  }
0x61: {  	_ =	shalt  }
0x62: {  	_ =	shalt  }
0x63: {  	_ =	shalt  }
0x64: {  	_ =	shalt  }
0x65: {  	_ =	shalt  }
0x66: {  	_ =	shalt  }
0x67: {  	_ =	shalt  }
0x68: {  	_ =	shalt  }
0x69: {  	_ =	shalt  }
0x6a: {  	_ =	shalt  }
0x6b: {  	_ =	shalt  }
0x6c: {  	_ =	shalt  }
0x6d: {  	_ =	shalt  }
0x6e: {  	_ =	shalt  }
0x6f: {  	_ =	shalt  }
0x70: {  	_ =	shalt  }
0x71: {  	_ =	shalt  }
0x72: {  	_ =	shalt  }
0x73: {  	_ =	shalt  }
0x74: {  	_ =	shalt  }
0x75: {  	_ =	shalt  }
0x76: {  	_ =	shalt  }
0x77: {  	_ =	shalt  }
0x78: {  	_ =	shalt  }
0x79: {  	_ =	shalt  }
0x7a: {  	_ =	shalt  }
0x7b: {  	_ =	shalt  }
0x7c: {  	_ =	shalt  }
0x7d: {  	_ =	shalt  }
0x7e: {  	_ =	shalt  }
0x7f: {  	_ =	shalt  }
0x80: {  	_ =	shalt  }
0x81: {  	_ =	shalt  }
0x82: {  	_ =	shalt  }
0x83: {  	_ =	shalt  }
0x84: {  	_ =	shalt  }
0x85: {  	_ =	shalt  }
0x86: {  	_ =	shalt  }
0x87: {  	_ =	shalt  }
.Lfunc_end0:
.L_simem_size_0:
called_computation_lowered:
.L_overlay_start_0:
0x88: {  	s2 =	sld [smem:$0x3FD9]  }
0x89: {  	s3 =	sld [smem:$0x3FFE];
	_ =	sdelay $0x1  }
0x8a: {  	s1 =	srdreg.scid  }
0x8b: {  	s0 =	sand.u32 $0x1, s1  }
0x8c: {  	s14 =	sshll.u32 s0, $0xA;
	s2 =	sadd.s32 s3, s2  }
0x8d: {  	s2 =	sadd.s32 s2, s14  }
0x8e: {  	[smem:$0x3FBB] =	sst s2  }
0x8f: {  	_ = 	snop  }
0x90: {  	s2 =	sld [smem:$0x3FD0];
	_ =	sdelay $0x2  }
0x91: {  	s4 =	simm.s32 $0xA;
	s5 =	simm.s32 $0x10;
	s15 =	sld [smem:$0x3FC9]  }
0x92: {  	[smem:s5], [sflag:s4] =	dma.local [hbm:s2], $0x1  }
0x93: {  	_ =	swait.eq [sflag:s4], $0x1  }
0x94: {  	[sflag:s4] =	ssyncset.done $0x0  }
0x95: {  	[sflag:s4] =	ssyncadd.s32 $0xFFFFFFFF  }
0x96: {  	s16 =	sld [smem:$0x10];
	(tm) =	ssettm $0x1  }
0x97: {  	s17 =	sld [smem:$0x3FFB];
	_ =	sdelay $0x3  }
0x98: {  	_ =	strace s17  }
0x99: {  	s4 =	sld [smem:$0x3FFC];
	_ =	sdelay $0x3  }
0x9a: {  	_ =	strace s4  }
0x9b: {  	s4 =	sld [smem:$0x3FFD];
	_ =	sdelay $0x3  }
0x9c: {  	_ =	strace s4  }
0x9d: {  	_ =	strace $0x8FFFFFFF  }
0x9e: {  	s18 =	sld [smem:$0x3FDB];
	_ =	sdelay $0x1  }
0x9f: {  	s19 =	simm.s32 $_scs_section_size  }
0xa0: {  	s6 =	simm.s32 $_size__tile_overlayer_lowered;
	s7 =	simm.s32 $_tile_overlayer_lowered  }
0xa1: {  	s22 =	simm.s32 $0x1BFF;
	s21 =	sshll.u32 s7, $0x1;
	s4 =	sadd.s32 s19, s18  }
0xa2: {  	s8 =	simm.s32 $0x0;
	s20 =	sshll.u32 s6, $0x1;
	s6 =	sadd.s32 s21, s4  }
0xa3: {  	[timem:s8], [sflag:s22] =	dma.local [hbm:s6], s20  }
0xa4: {  	_ =	swait.ge [sflag:s22], s20  }
0xa5: {  	s5 =	ssub.s32 $0x0, s20;
	[sflag:s22] =	ssyncset.done $0x0  }
0xa6: {  	[sflag:s22] =	ssyncadd.s32 s5;
	_ =	sdelay $0x1  }
0xa7: {  	s23 =	simm.s32 $0x1B8B  }
0xa8: {  	_ =	swait.ge [sflag:s23], $0x1  }
0xa9: {  	[sflag:s23] =	ssyncset.done $0x0  }
0xaa: {  	s25 =	simm.s32 $0x1B8E;
	s24 =	sld [smem:$0x3FFE];
	[sflag:s23] =	ssyncadd.s32 $0xFFFFFFFF  }
0xab: {  	s26 =	simm.s32 $execute0_lowered;
	[smem:$0x3FD2] =	sst s25  }
0xac: {  	s6 =	sshll.u32 s26, $0x1;
	_ =	strace $0x80000046;
	[dreg:$0x1] =	wrdreg $0xFFFFFFFF  }
0xad: {  	s28 =	simm.s32 $_size_execute0_lowered;
	s4 =	sadd.s32 s4, s6;
	[dreg:$0x0] =	wrdreg $0x0  }
0xae: {  	s6 =	sshll.u32 s28, $0x1;
	[dreg:$0x2] =	wrdreg s4  }
0xaf: {  	[dreg:$0x3] =	wrdreg s6  }
0xb0: {  	[dreg:$0x4] =	wrdreg $0xC0  }
0xb1: {  	_ =	task [dreg:s8], $0x5FFFF  }
0xb2: {  	[dreg:$0x1] =	wrdreg $0xFFFFFFFF  }
0xb3: {  	[dreg:$0x0] =	wrdreg $0x60  }
0xb4: {  	[dreg:$0x2] =	wrdreg s24  }
0xb5: {  	[dreg:$0x3] =	wrdreg s15  }
0xb6: {  	[dreg:$0x4] =	wrdreg s16  }
0xb7: {  	[dreg:$0x5] =	wrdreg $0x9  }
0xb8: {  	_ =	task.clear_ibuf [dreg:s8], $0x6FFFF;
	_ =	strace $0x90000046  }
0xb9: {  	s29 =	simm.s32 $0x9;
	_ =	strace $0x80000048  }
0xba: {  	_ =	swait.ge [sflag:s29], $0x1  }
0xbb: {  	[sflag:s29] =	ssyncadd.s32 $0xFFFFFFFF  }
0xbc: {  	_ =	strace $0x90000048  }
0xbd: {  	_ =	sfence  }
0xbe: {  	s30 =	sld [smem:$0x0];
	_ =	sdelay $0x2  }
0xbf: {  	s31 =	sshll.u32 s1, $0xD;
	s1 =	sshrl.u32 s1, $0x2  }
0xc0: {  	s3 =	sand.u32 $0x4000, s31;
	s1 =	sadd.s32 s1, s30  }
0xc1: {  	s0 =	sor.u32 s3, s0;
	s1 =	sshll.u32 s1, $0x11  }
0xc2: {  	s0 =	sor.u32 s1, s0  }
0xc3: {  	s0 =	sadd.s32 $0x8F2B, s0  }
0xc4: {  	[sflag:s0] =	ssyncadd.remote.s32 $0x1  }
0xc5: {  	_ =	sfence.sel $0xFFFF  }
0xc6: {  	[dreg:$0x0] =	wrdreg $0xFFFFFFFF;
	(pc) =	sbr.abs _section_cstart, $3  }
0xc7: {  	[dreg:$0x1] =	wrdreg $0xFFFFFFFF  }
0xc8: {  	_ =	task.clear_ibuf [dreg:s8], $0x2FFFF;
	_ =	strace $0x9FFFFFFF  }
0xc9: {  	(tm) =	ssettm $0x7FFFFFFF  }
tec
execute0_lowered:
.L_overlay_start_1:
0x0: {  	(tag) =	ssettag $0x1  }
0x1: {  	s1 =	srdreg.scid  }
0x2: {  	s4 =	rddreg [dreg:$0x0];
	s0 =	stileid.u32;
	s6 =	sand.u32 $0x1, s1  }
0x3: {  	s2 =	rddreg [dreg:$0x1];
	s30 =	sshll.u32 s0, $0x6;
	s3 =	sshll.u32 s6, $0x5  }
0x4: {  	s9 =	rddreg [dreg:$0x2];
	s10 =	sor.u32 s3, s30  }
0x5: {  	s1 =	rddreg [dreg:$0x3];
	s3 =	simm.s32 $0x0;
	s5 =	sshrl.u32 s10, $0x3  }
0x6: {  	s11 =	ssub.s32 $0x2, s6;
	[smem:$0x7FF] =	sst s3;
	s4 =	sadd.s32 s5, s4  }
0x7: {  	_ =	strace $0x80000047;
	s5 =	sadd.s32 $0x1600, s4;
	s4 =	simm.s32 $0x2  }
0x8: {  	[tilespmem:s3], [sflag:$0x2] =	stream.linear.gather [hbm4b:s5+s3], $0x20, $0x38;
	[tilespmem:$0x1080] =	vst v63  }
0x9: {  	s7 =	simm.s32 $0x80;
	s12 =	sshrl.u32 s11, $0x1;
	_ =	swait.ge [sflag:s4], $0x20  }
0xa: {  	s8 =	simm.s32 $0x1;
	s11 =	ssub.s32 s11, s12;
	[sflag:s4] =	ssyncset.done $0x0  }
0xb: {  	s6 =	simm.s32 $0x20;
	s31 =	smax.u32 s11, $0x1;
	[sflag:s4] =	ssyncadd.s32 $0xFFFFFFE0  }
0xc: {  	[tilespmem:s7], [sflag:$0x1] =	stream.indirect.gather [hbm4b:s2+s6], $0x80, s3, s6, $0xb8;
	[tilespmem:$0x1080] =	vst v63  }
0xd: {  	p0 =	sne.s32 s31, $0x1;
	_ =	swait.ge [sflag:s8], $0x1000  }
.Ltmp0:
0xe: {  	s10 =	sshll.u32 s10, $0x4;
	[sflag:s8] =	ssyncset.done $0x0;
	(pc) =	sbr.rel @!p0 .LBB2_2-.Ltmp0, $4  }
0xf: {  	s9 =	sadd.s32 s9, s10;
	[sflag:s8] =	ssyncadd.s32 $0xFFFFF000  }
0x10: {  	[hbm4b:s9+s3] =	stream.linear.scatter [tilespmem:s7], [sflag:$0x2], $0x1000, $0x38;
	[tilespmem:$0x1080] =	vst v63  }
0x11: {  	_ =	swait.ge [sflag:s4], $0x1000  }
0x12: {  	s10 =	sadd.s32 $0xFFFFFFFF, s31;
	[sflag:s4] =	ssyncset.done $0x0  }
.LBB2_1:
0x13: {  	p0 =	sne.s32 s10, $0x1;
	s10 =	sadd.s32 $0xFFFFFFFF, s10;
	[sflag:s4] =	ssyncadd.s32 $0xFFFFF000  }
0x14: {  	[tilespmem:s3], [sflag:$0x2] =	stream.linear.gather [hbm4b:s5+s3], $0x20, $0x38;
	[tilespmem:$0x1080] =	vst v63  }
0x15: {  	_ =	swait.ge [sflag:s4], $0x20  }
0x16: {  	[sflag:s4] =	ssyncset.done $0x0  }
0x17: {  	[sflag:s4] =	ssyncadd.s32 $0xFFFFFFE0  }
0x18: {  	[tilespmem:s7], [sflag:$0x1] =	stream.indirect.gather [hbm4b:s2+s6], $0x80, s3, s6, $0xb8;
	[tilespmem:$0x1080] =	vst v63  }
0x19: {  	_ =	swait.ge [sflag:s8], $0x1000  }
.Ltmp1:
0x1a: {  	[sflag:s8] =	ssyncset.done $0x0;
	(pc) =	sbr.rel @p0 .LBB2_1-.Ltmp1, $4  }
0x1b: {  	[sflag:s8] =	ssyncadd.s32 $0xFFFFF000  }
0x1c: {  	[hbm4b:s9+s3] =	stream.linear.scatter [tilespmem:s7], [sflag:$0x2], $0x1000, $0x38;
	[tilespmem:$0x1080] =	vst v63  }
0x1d: {  	_ =	swait.ge [sflag:s4], $0x1000  }
0x1e: {  	[sflag:s4] =	ssyncset.done $0x0  }
.LBB2_2:
0x1f: {  	[sflag:s4] =	ssyncadd.s32 $0xFFFFF000  }
0x20: {  	_ =	sfence.sel $0x180000  }
0x21: {  	[bflag:$0x0] =	sbarrier.arrive $0xFFFF  }
0x22: {  	p0 =	sne.s32 s0, $0x0;
	_ =	strace $0x90000047  }
0x23: {  	s0 =	sadd.s32 @!p0 $0x100000, s1;
	[bflag:$0x2] =	sbarrier.arrive $0xFFFF  }
0x24: {  	[sflag:s0] =	ssyncadd.tile.s32 @!p0 $0x1;
	_ =	shalt  }
.Lfunc_end2:
_tile_overlayer_lowered:
.L_overlay_start_2:
0x25: {  	(tag) =	ssettag $0x2  }
0x26: {  	s0 =	rddreg [dreg:$0x0];
	s2 =	stileid.u32  }
0x27: {  	s1 =	rddreg [dreg:$0x1];
	p0 =	sne.s32 s2, $0x0  }
0x28: {  	s3 =	rddreg [dreg:$0x2];
	[bflag:$0x3] =	sbarrier.arrive $0xFFFF;
	s2 =	simm.s32 @!p0 $0x1C02  }
0x29: {  	[timem:s3], [sflag:s2] =	dma.local @!p0 [hbm:s0], s1  }
0x2a: {  	s0 =	simm.s32 @!p0 $0x2  }
0x2b: {  	_ =	swait.ge @!p0 [sflag:s0], s1  }
0x2c: {  	s1 =	ssub.s32 @!p0 $0x0, s1;
	[sflag:s0] =	ssyncset.done @!p0 $0x0  }
0x2d: {  	[sflag:s0] =	ssyncadd.s32 @!p0 s1  }
0x2e: {  	[bflag:$0x3] =	sbarrier.arrive $0xFFFF  }
0x2f: {  	_ =	shalt  }

</sc_bundles>
